<compile_context>
chip_gen: v7x
topology: tpu7x:2x2x1
jax: 0.10.2.dev20260603
libtpu: 0.0.44.dev20260713+nightly
codegen_flags: <defaults>
</compile_context>

<pallas_src>
import jax
import jax.numpy as jnp
from jax import lax
from jax.experimental import pallas as pl
from jax.experimental.pallas import tpu as pltpu, tpu_sc as plsc

N = 100000
C = 128
NC, NS, L = 2, 16, 16
NW = NC * NS
B0 = 32
BW = B0 * C
NBLK = N // B0
NFULL = -(-NBLK // NW)
NLONG = NBLK - NW * (NFULL - 1)
G = B0 // L


def _body(inp_hbm, out_hbm, idx_all, buf, sem0, sem1, semi):
    c = lax.axis_index("c")
    s = lax.axis_index("s")
    wid = s * NC + c

    cnt = jnp.where(wid < NLONG, NFULL, NFULL - 1)
    start = (NFULL - 1) * wid + jnp.minimum(wid, NLONG)
    shift = jnp.where(wid < NLONG, 0, B0)
    ibase = start * B0 - shift

    def idx_copy():
        return pltpu.make_async_copy(
            inp_hbm.at[pl.ds(ibase, NFULL * B0)], idx_all, semi)

    idx_copy().start()

    iota = lax.iota(jnp.int32, 16)
    ones = jnp.ones((16,), jnp.int32)
    zeros = jnp.zeros((16,), jnp.int32)

    def scat(j, off, val):
        for g in range(G):
            vals = idx_all[pl.ds(shift + j * B0 + g * L, L)]
            lin = off + (g * L + iota) * C + vals
            plsc.store_scatter(buf, [lin], val)

    def do_block(j, carry):
        @pl.when(j < cnt)
        def _():
            off = (j % 2) * BW
            dst = out_hbm.at[pl.ds((start + j) * BW, BW)]
            src = buf.at[pl.ds(off, BW)]

            @pl.when(j == 0)
            def _():
                def one_chunk(k, cc):
                    for u in range(8):
                        buf[pl.ds(k * 128 + u * 16, 16)] = zeros
                    return cc
                lax.fori_loop(0, 2 * BW // 128, one_chunk, 0)
                idx_copy().wait()

            @pl.when(j >= 2)
            def _():
                @pl.when(j % 2 == 0)
                def _():
                    pltpu.make_async_copy(src, dst, sem0).wait()

                @pl.when(j % 2 == 1)
                def _():
                    pltpu.make_async_copy(src, dst, sem1).wait()

                scat(j - 2, off, zeros)

            scat(j, off, ones)

            @pl.when(j % 2 == 0)
            def _():
                pltpu.async_copy(src, dst, sem0)

            @pl.when(j % 2 == 1)
            def _():
                pltpu.async_copy(src, dst, sem1)

        return carry

    lax.fori_loop(0, NFULL, do_block, 0)

    anysrc = buf.at[pl.ds(0, BW)]
    anydst = out_hbm.at[pl.ds(0, BW)]
    pltpu.make_async_copy(anysrc, anydst, sem0).wait()
    pltpu.make_async_copy(anysrc, anydst, sem1).wait()


_onehot_sc = pl.kernel(
    _body,
    out_type=jax.ShapeDtypeStruct((N * C,), jnp.int32),
    mesh=plsc.VectorSubcoreMesh(core_axis_name="c", subcore_axis_name="s"),
    scratch_types=(
        pltpu.VMEM((NFULL * B0,), jnp.int32),
        pltpu.VMEM((2 * BW,), jnp.int32),
        pltpu.SemaphoreType.DMA,
        pltpu.SemaphoreType.DMA,
        pltpu.SemaphoreType.DMA,
    ),
    compiler_params=pltpu.CompilerParams(
        needs_layout_passes=False, skip_device_barrier=True),
)


def kernel(inp):
    out = _onehot_sc(inp)
    return out.reshape(N, C)

# --- scband reference (transcript-rebuilt; emitter-appended) ---
"""Pipeline reference for scband-onehot-embedding-5394478923966 (READ-ONLY COPY).

The authoritative reference and input builder live on the scoring server;
editing this copy changes nothing except your own understanding.
"""

import jax, jax.numpy as jnp
import numpy as np

NUM_CLASSES = 128
N = 100000

def setup_inputs(seed: int = 0) -> dict:
    key = jax.random.key(seed)
    inp = jax.random.randint(key, (N,), 0, NUM_CLASSES, dtype=jnp.int32)
    return {"inp": inp}

def reference(inp) -> jnp.ndarray:
    # torch.nn.functional.one_hot(inp, num_classes) -> (N, num_classes)
    # torch returns int64; we emit the same 0/1 values (int32 to avoid x64 flag issues).
    embd = jax.nn.one_hot(inp, NUM_CLASSES, dtype=jnp.int32)
    # module writes embd to both data_key_out and data_key_additional; both are the
    # identical tensor, so returning it once is the faithful functional output.
    return embd

if __name__ == "__main__":
    import jax
    _d = setup_inputs()
    print(jax.jit(kernel)(*tuple(_d.values())))

</pallas_src>

<mosaic_0001>
#map = affine_map<(d0, d1) -> (0)>
module attributes {stable_mosaic.version = 14 : i64} {
  func.func @_body(%arg0: i32, %arg1: i32, %arg2: memref<100000xi32, #tpu.memory_space<hbm>>, %arg3: memref<12800000xi32, #tpu.memory_space<hbm>>, %arg4: memref<3136xi32, #tpu.memory_space<vmem>>, %arg5: memref<8192xi32, #tpu.memory_space<vmem>>, %arg6: memref<!tpu.dma_semaphore, #tpu.memory_space<semaphore_mem>>, %arg7: memref<!tpu.dma_semaphore, #tpu.memory_space<semaphore_mem>>, %arg8: memref<!tpu.dma_semaphore, #tpu.memory_space<semaphore_mem>>) attributes {dimension_semantics = [#tpu.dimension_semantics<core_parallel>, #tpu.dimension_semantics<subcore_parallel>], iteration_bounds = array<i64: 2, 16>, scalar_prefetch = 0 : i64, scratch_operands = 5 : i64, tpu.core_type = #tpu.core_type<sc_vector_subcore>, window_params = [{transform_indices = #map}, {transform_indices = #map}]} {
    %mul3A = arith.constant 2 : i32
    %mul3A_0 = arith.muli %arg1, %mul3A : i32
    %add3A = arith.addi %mul3A_0, %arg0 : i32
    %lt3A = arith.constant 21 : i32
    %lt3A_1 = arith.cmpi slt, %add3A, %lt3A : i32
    %jit3A = arith.constant 98 : i32
    %jit3A_2 = arith.constant 97 : i32
    %select_n3A = arith.select %lt3A_1, %jit3A, %jit3A_2 : i32
    %mul3A_3 = arith.constant 97 : i32
    %mul3A_4 = arith.muli %mul3A_3, %add3A : i32
    %min3A = arith.constant 21 : i32
    %min3A_5 = arith.minsi %add3A, %min3A : i32
    %add3A_6 = arith.addi %mul3A_4, %min3A_5 : i32
    %lt3A_7 = arith.constant 21 : i32
    %lt3A_8 = arith.cmpi slt, %add3A, %lt3A_7 : i32
    %jit3A_9 = arith.constant 0 : i32
    %jit3A_10 = arith.constant 32 : i32
    %select_n3A_11 = arith.select %lt3A_8, %jit3A_9, %jit3A_10 : i32
    %mul3A_12 = arith.constant 32 : i32
    %mul3A_13 = arith.muli %add3A_6, %mul3A_12 : i32
    %sub3A = arith.subi %mul3A_13, %select_n3A_11 : i32
    %dma_start3A = tpu.memref_slice %arg2[%sub3A] : memref<100000xi32, #tpu.memory_space<hbm>> -> memref<3136xi32, #tpu.memory_space<hbm>>
    %dma_start3A_14 = tpu.memref_slice %arg2[%sub3A] : memref<100000xi32, #tpu.memory_space<hbm>> -> memref<3136xi32, #tpu.memory_space<hbm>>
    tpu.enqueue_dma source(%dma_start3A_14 : memref<3136xi32, #tpu.memory_space<hbm>>) target(%arg4 : memref<3136xi32, #tpu.memory_space<vmem>>) target_semaphore(%arg8 : memref<!tpu.dma_semaphore, #tpu.memory_space<semaphore_mem>>)
    %iota3A = tpu.iota {dimensions = array<i32: 0>} : vector<16xi32>
    %broadcast_in_dim3A = arith.constant 1 : i32
    %broadcast_in_dim3A_15 = vector.broadcast %broadcast_in_dim3A : i32 to vector<16xi32>
    %broadcast_in_dim3A_16 = arith.constant 0 : i32
    %broadcast_in_dim3A_17 = vector.broadcast %broadcast_in_dim3A_16 : i32 to vector<16xi32>
    %scan3A = arith.constant 0 : i32
    %scan3A_18 = arith.constant 0 : i32
    %scan3A_19 = arith.constant 98 : i32
    %scan3A_20 = arith.addi %scan3A_18, %scan3A_19 : i32
    %scan3A_21 = arith.constant 1 : i32
    scf.for %scan3A_38 = %scan3A_18 to %scan3A_20 step %scan3A_21  : i32 {
      %lt3A_39 = arith.cmpi slt, %scan3A_38, %select_n3A : i32
      %convert_element_type3A = arith.extui %lt3A_39 : i1 to i32
      %cond3A = arith.constant 0 : i32
      %cond3A_40 = arith.cmpi ne, %convert_element_type3A, %cond3A : i32
      scf.if %cond3A_40 {
        %jit3A_41 = arith.constant 2 : i32
        %eq3A = arith.constant 0 : i32
        %eq3A_42 = arith.cmpi eq, %jit3A_41, %eq3A : i32
        %jit3A_43 = arith.constant 1 : i32
        %select_n3A_44 = arith.select %eq3A_42, %jit3A_43, %jit3A_41 : i32
        %rem3A = arith.remsi %scan3A_38, %select_n3A_44 : i32
        %ne3A = arith.constant 0 : i32
        %ne3A_45 = arith.cmpi ne, %rem3A, %ne3A : i32
        %lt3A_46 = arith.constant 0 : i32
        %lt3A_47 = arith.cmpi slt, %rem3A, %lt3A_46 : i32
        %lt3A_48 = arith.constant 0 : i32
        %lt3A_49 = arith.cmpi slt, %select_n3A_44, %lt3A_48 : i32
        %ne3A_50 = arith.xori %lt3A_47, %lt3A_49 : i1
        %and3A = arith.andi %ne3A_50, %ne3A_45 : i1
        %add3A_51 = arith.addi %rem3A, %select_n3A_44 : i32
        %select_n3A_52 = arith.select %and3A, %add3A_51, %rem3A : i32
        %mul3A_53 = arith.constant 4096 : i32
        %mul3A_54 = arith.muli %select_n3A_52, %mul3A_53 : i32
        %add3A_55 = arith.addi %add3A_6, %scan3A_38 : i32
        %mul3A_56 = arith.constant 4096 : i32
        %mul3A_57 = arith.muli %add3A_55, %mul3A_56 : i32
        %eq3A_58 = arith.constant 0 : i32
        %eq3A_59 = arith.cmpi eq, %scan3A_38, %eq3A_58 : i32
        %convert_element_type3A_60 = arith.extui %eq3A_59 : i1 to i32
        %cond3A_61 = arith.constant 0 : i32
        %cond3A_62 = arith.cmpi ne, %convert_element_type3A_60, %cond3A_61 : i32
        scf.if %cond3A_62 {
          %scan3A_140 = arith.constant 0 : i32
          %scan3A_141 = arith.constant 0 : i32
          %scan3A_142 = arith.constant 64 : i32
          %scan3A_143 = arith.addi %scan3A_141, %scan3A_142 : i32
          %scan3A_144 = arith.constant 1 : i32
          scf.for %scan3A_148 = %scan3A_141 to %scan3A_143 step %scan3A_144  : i32 {
            %mul3A_149 = arith.constant 128 : i32
            %mul3A_150 = arith.muli %scan3A_148, %mul3A_149 : i32
            %add3A_151 = arith.constant 0 : i32
            %add3A_152 = arith.addi %mul3A_150, %add3A_151 : i32
            %swap3A = arith.index_cast %add3A_152 : i32 to index
            %swap3A_153 = tpu.vector_load %arg5[%swap3A] {strides = array<i32>} : memref<8192xi32, #tpu.memory_space<vmem>>, vector<16xi32>,
            tpu.vector_store %arg5[%swap3A], %broadcast_in_dim3A_17 {strides = array<i32>} : memref<8192xi32, #tpu.memory_space<vmem>>, vector<16xi32>,
            %mul3A_154 = arith.constant 128 : i32
            %mul3A_155 = arith.muli %scan3A_148, %mul3A_154 : i32
            %add3A_156 = arith.constant 16 : i32
            %add3A_157 = arith.addi %mul3A_155, %add3A_156 : i32
            %swap3A_158 = arith.index_cast %add3A_157 : i32 to index
            %swap3A_159 = tpu.vector_load %arg5[%swap3A_158] {strides = array<i32>} : memref<8192xi32, #tpu.memory_space<vmem>>, vector<16xi32>,
            tpu.vector_store %arg5[%swap3A_158], %broadcast_in_dim3A_17 {strides = array<i32>} : memref<8192xi32, #tpu.memory_space<vmem>>, vector<16xi32>,
            %mul3A_160 = arith.constant 128 : i32
            %mul3A_161 = arith.muli %scan3A_148, %mul3A_160 : i32
            %add3A_162 = arith.constant 32 : i32
            %add3A_163 = arith.addi %mul3A_161, %add3A_162 : i32
            %swap3A_164 = arith.index_cast %add3A_163 : i32 to index
            %swap3A_165 = tpu.vector_load %arg5[%swap3A_164] {strides = array<i32>} : memref<8192xi32, #tpu.memory_space<vmem>>, vector<16xi32>,
            tpu.vector_store %arg5[%swap3A_164], %broadcast_in_dim3A_17 {strides = array<i32>} : memref<8192xi32, #tpu.memory_space<vmem>>, vector<16xi32>,
            %mul3A_166 = arith.constant 128 : i32
            %mul3A_167 = arith.muli %scan3A_148, %mul3A_166 : i32
            %add3A_168 = arith.constant 48 : i32
            %add3A_169 = arith.addi %mul3A_167, %add3A_168 : i32
            %swap3A_170 = arith.index_cast %add3A_169 : i32 to index
            %swap3A_171 = tpu.vector_load %arg5[%swap3A_170] {strides = array<i32>} : memref<8192xi32, #tpu.memory_space<vmem>>, vector<16xi32>,
            tpu.vector_store %arg5[%swap3A_170], %broadcast_in_dim3A_17 {strides = array<i32>} : memref<8192xi32, #tpu.memory_space<vmem>>, vector<16xi32>,
            %mul3A_172 = arith.constant 128 : i32
            %mul3A_173 = arith.muli %scan3A_148, %mul3A_172 : i32
            %add3A_174 = arith.constant 64 : i32
            %add3A_175 = arith.addi %mul3A_173, %add3A_174 : i32
            %swap3A_176 = arith.index_cast %add3A_175 : i32 to index
            %swap3A_177 = tpu.vector_load %arg5[%swap3A_176] {strides = array<i32>} : memref<8192xi32, #tpu.memory_space<vmem>>, vector<16xi32>,
            tpu.vector_store %arg5[%swap3A_176], %broadcast_in_dim3A_17 {strides = array<i32>} : memref<8192xi32, #tpu.memory_space<vmem>>, vector<16xi32>,
            %mul3A_178 = arith.constant 128 : i32
            %mul3A_179 = arith.muli %scan3A_148, %mul3A_178 : i32
            %add3A_180 = arith.constant 80 : i32
            %add3A_181 = arith.addi %mul3A_179, %add3A_180 : i32
            %swap3A_182 = arith.index_cast %add3A_181 : i32 to index
            %swap3A_183 = tpu.vector_load %arg5[%swap3A_182] {strides = array<i32>} : memref<8192xi32, #tpu.memory_space<vmem>>, vector<16xi32>,
            tpu.vector_store %arg5[%swap3A_182], %broadcast_in_dim3A_17 {strides = array<i32>} : memref<8192xi32, #tpu.memory_space<vmem>>, vector<16xi32>,
            %mul3A_184 = arith.constant 128 : i32
            %mul3A_185 = arith.muli %scan3A_148, %mul3A_184 : i32
            %add3A_186 = arith.constant 96 : i32
            %add3A_187 = arith.addi %mul3A_185, %add3A_186 : i32
            %swap3A_188 = arith.index_cast %add3A_187 : i32 to index
            %swap3A_189 = tpu.vector_load %arg5[%swap3A_188] {strides = array<i32>} : memref<8192xi32, #tpu.memory_space<vmem>>, vector<16xi32>,
            tpu.vector_store %arg5[%swap3A_188], %broadcast_in_dim3A_17 {strides = array<i32>} : memref<8192xi32, #tpu.memory_space<vmem>>, vector<16xi32>,
            %mul3A_190 = arith.constant 128 : i32
            %mul3A_191 = arith.muli %scan3A_148, %mul3A_190 : i32
            %add3A_192 = arith.constant 112 : i32
            %add3A_193 = arith.addi %mul3A_191, %add3A_192 : i32
            %swap3A_194 = arith.index_cast %add3A_193 : i32 to index
            %swap3A_195 = tpu.vector_load %arg5[%swap3A_194] {strides = array<i32>} : memref<8192xi32, #tpu.memory_space<vmem>>, vector<16xi32>,
            tpu.vector_store %arg5[%swap3A_194], %broadcast_in_dim3A_17 {strides = array<i32>} : memref<8192xi32, #tpu.memory_space<vmem>>, vector<16xi32>,
          }
          %scan3A_145 = arith.constant 64 : i32
          %dma_wait3A_146 = tpu.memref_slice %arg2[%sub3A] : memref<100000xi32, #tpu.memory_space<hbm>> -> memref<3136xi32, #tpu.memory_space<hbm>>
          %dma_wait3A_147 = tpu.memref_slice %arg2[%sub3A] : memref<100000xi32, #tpu.memory_space<hbm>> -> memref<3136xi32, #tpu.memory_space<hbm>>
          tpu.wait_dma2 semaphore(%arg8 : memref<!tpu.dma_semaphore, #tpu.memory_space<semaphore_mem>>) src(%dma_wait3A_147 : memref<3136xi32, #tpu.memory_space<hbm>>) dst(%arg4 : memref<3136xi32, #tpu.memory_space<vmem>>)
        } else {
        }
        %ge3A = arith.constant 2 : i32
        %ge3A_63 = arith.cmpi sge, %scan3A_38, %ge3A : i32
        %convert_element_type3A_64 = arith.extui %ge3A_63 : i1 to i32
        %cond3A_65 = arith.constant 0 : i32
        %cond3A_66 = arith.cmpi ne, %convert_element_type3A_64, %cond3A_65 : i32
        scf.if %cond3A_66 {
          %jit3A_140 = arith.constant 2 : i32
          %eq3A_141 = arith.constant 0 : i32
          %eq3A_142 = arith.cmpi eq, %jit3A_140, %eq3A_141 : i32
          %jit3A_143 = arith.constant 1 : i32
          %select_n3A_144 = arith.select %eq3A_142, %jit3A_143, %jit3A_140 : i32
          %rem3A_145 = arith.remsi %scan3A_38, %select_n3A_144 : i32
          %ne3A_146 = arith.constant 0 : i32
          %ne3A_147 = arith.cmpi ne, %rem3A_145, %ne3A_146 : i32
          %lt3A_148 = arith.constant 0 : i32
          %lt3A_149 = arith.cmpi slt, %rem3A_145, %lt3A_148 : i32
          %lt3A_150 = arith.constant 0 : i32
          %lt3A_151 = arith.cmpi slt, %select_n3A_144, %lt3A_150 : i32
          %ne3A_152 = arith.xori %lt3A_149, %lt3A_151 : i1
          %and3A_153 = arith.andi %ne3A_152, %ne3A_147 : i1
          %add3A_154 = arith.addi %rem3A_145, %select_n3A_144 : i32
          %select_n3A_155 = arith.select %and3A_153, %add3A_154, %rem3A_145 : i32
          %eq3A_156 = arith.constant 0 : i32
          %eq3A_157 = arith.cmpi eq, %select_n3A_155, %eq3A_156 : i32
          %convert_element_type3A_158 = arith.extui %eq3A_157 : i1 to i32
          %cond3A_159 = arith.constant 0 : i32
          %cond3A_160 = arith.cmpi ne, %convert_element_type3A_158, %cond3A_159 : i32
          scf.if %cond3A_160 {
            %dma_wait3A_216 = tpu.memref_slice %arg5[%mul3A_54] : memref<8192xi32, #tpu.memory_space<vmem>> -> memref<4096xi32, #tpu.memory_space<vmem>>
            %dma_wait3A_217 = tpu.memref_slice %arg3[%mul3A_57] : memref<12800000xi32, #tpu.memory_space<hbm>> -> memref<4096xi32, #tpu.memory_space<hbm>>
            %dma_wait3A_218 = tpu.memref_slice %arg3[%mul3A_57] : memref<12800000xi32, #tpu.memory_space<hbm>> -> memref<4096xi32, #tpu.memory_space<hbm>>
            %dma_wait3A_219 = tpu.memref_slice %arg5[%mul3A_54] : memref<8192xi32, #tpu.memory_space<vmem>> -> memref<4096xi32, #tpu.memory_space<vmem>>
            tpu.wait_dma2 semaphore(%arg6 : memref<!tpu.dma_semaphore, #tpu.memory_space<semaphore_mem>>) src(%dma_wait3A_219 : memref<4096xi32, #tpu.memory_space<vmem>>) dst(%dma_wait3A_218 : memref<4096xi32, #tpu.memory_space<hbm>>)
          } else {
          }
          %jit3A_161 = arith.constant 2 : i32
          %eq3A_162 = arith.constant 0 : i32
          %eq3A_163 = arith.cmpi eq, %jit3A_161, %eq3A_162 : i32
          %jit3A_164 = arith.constant 1 : i32
          %select_n3A_165 = arith.select %eq3A_163, %jit3A_164, %jit3A_161 : i32
          %rem3A_166 = arith.remsi %scan3A_38, %select_n3A_165 : i32
          %ne3A_167 = arith.constant 0 : i32
          %ne3A_168 = arith.cmpi ne, %rem3A_166, %ne3A_167 : i32
          %lt3A_169 = arith.constant 0 : i32
          %lt3A_170 = arith.cmpi slt, %rem3A_166, %lt3A_169 : i32
          %lt3A_171 = arith.constant 0 : i32
          %lt3A_172 = arith.cmpi slt, %select_n3A_165, %lt3A_171 : i32
          %ne3A_173 = arith.xori %lt3A_170, %lt3A_172 : i1
          %and3A_174 = arith.andi %ne3A_173, %ne3A_168 : i1
          %add3A_175 = arith.addi %rem3A_166, %select_n3A_165 : i32
          %select_n3A_176 = arith.select %and3A_174, %add3A_175, %rem3A_166 : i32
          %eq3A_177 = arith.constant 1 : i32
          %eq3A_178 = arith.cmpi eq, %select_n3A_176, %eq3A_177 : i32
          %convert_element_type3A_179 = arith.extui %eq3A_178 : i1 to i32
          %cond3A_180 = arith.constant 0 : i32
          %cond3A_181 = arith.cmpi ne, %convert_element_type3A_179, %cond3A_180 : i32
          scf.if %cond3A_181 {
            %dma_wait3A_216 = tpu.memref_slice %arg5[%mul3A_54] : memref<8192xi32, #tpu.memory_space<vmem>> -> memref<4096xi32, #tpu.memory_space<vmem>>
            %dma_wait3A_217 = tpu.memref_slice %arg3[%mul3A_57] : memref<12800000xi32, #tpu.memory_space<hbm>> -> memref<4096xi32, #tpu.memory_space<hbm>>
            %dma_wait3A_218 = tpu.memref_slice %arg3[%mul3A_57] : memref<12800000xi32, #tpu.memory_space<hbm>> -> memref<4096xi32, #tpu.memory_space<hbm>>
            %dma_wait3A_219 = tpu.memref_slice %arg5[%mul3A_54] : memref<8192xi32, #tpu.memory_space<vmem>> -> memref<4096xi32, #tpu.memory_space<vmem>>
            tpu.wait_dma2 semaphore(%arg7 : memref<!tpu.dma_semaphore, #tpu.memory_space<semaphore_mem>>) src(%dma_wait3A_219 : memref<4096xi32, #tpu.memory_space<vmem>>) dst(%dma_wait3A_218 : memref<4096xi32, #tpu.memory_space<hbm>>)
          } else {
          }
          %sub3A_182 = arith.constant 2 : i32
          %sub3A_183 = arith.subi %scan3A_38, %sub3A_182 : i32
          %mul3A_184 = arith.constant 32 : i32
          %mul3A_185 = arith.muli %sub3A_183, %mul3A_184 : i32
          %add3A_186 = arith.addi %select_n3A_11, %mul3A_185 : i32
          %add3A_187 = arith.constant 0 : i32
          %add3A_188 = arith.addi %add3A_186, %add3A_187 : i32
          %get3A_189 = arith.index_cast %add3A_188 : i32 to index
          %get3A_190 = tpu.vector_load %arg4[%get3A_189] {strides = array<i32>} : memref<3136xi32, #tpu.memory_space<vmem>>, vector<16xi32>,
          %add3A_191 = arith.constant 0 : i32
          %add3A_192 = vector.broadcast %add3A_191 : i32 to vector<16xi32>
          %add3A_193 = arith.addi %add3A_192, %iota3A : vector<16xi32>
          %mul3A_194 = arith.constant 128 : i32
          %mul3A_195 = vector.broadcast %mul3A_194 : i32 to vector<16xi32>
          %mul3A_196 = arith.muli %add3A_193, %mul3A_195 : vector<16xi32>
          %add3A_197 = vector.broadcast %mul3A_54 : i32 to vector<16xi32>
          %add3A_198 = arith.addi %add3A_197, %mul3A_196 : vector<16xi32>
          %add3A_199 = arith.addi %add3A_198, %get3A_190 : vector<16xi32>
          tpu.vector_store_idx %arg5[%add3A_199], %broadcast_in_dim3A_17 : memref<8192xi32, #tpu.memory_space<vmem>>[vector<16xi32>], vector<16xi32>,
          %mul3A_200 = arith.constant 32 : i32
          %mul3A_201 = arith.muli %sub3A_183, %mul3A_200 : i32
          %add3A_202 = arith.addi %select_n3A_11, %mul3A_201 : i32
          %add3A_203 = arith.constant 16 : i32
          %add3A_204 = arith.addi %add3A_202, %add3A_203 : i32
          %get3A_205 = arith.index_cast %add3A_204 : i32 to index
          %get3A_206 = tpu.vector_load %arg4[%get3A_205] {strides = array<i32>} : memref<3136xi32, #tpu.memory_space<vmem>>, vector<16xi32>,
          %add3A_207 = arith.constant 16 : i32
          %add3A_208 = vector.broadcast %add3A_207 : i32 to vector<16xi32>
          %add3A_209 = arith.addi %add3A_208, %iota3A : vector<16xi32>
          %mul3A_210 = arith.constant 128 : i32
          %mul3A_211 = vector.broadcast %mul3A_210 : i32 to vector<16xi32>
          %mul3A_212 = arith.muli %add3A_209, %mul3A_211 : vector<16xi32>
          %add3A_213 = vector.broadcast %mul3A_54 : i32 to vector<16xi32>
          %add3A_214 = arith.addi %add3A_213, %mul3A_212 : vector<16xi32>
          %add3A_215 = arith.addi %add3A_214, %get3A_206 : vector<16xi32>
          tpu.vector_store_idx %arg5[%add3A_215], %broadcast_in_dim3A_17 : memref<8192xi32, #tpu.memory_space<vmem>>[vector<16xi32>], vector<16xi32>,
        } else {
        }
        %mul3A_67 = arith.constant 32 : i32
        %mul3A_68 = arith.muli %scan3A_38, %mul3A_67 : i32
        %add3A_69 = arith.addi %select_n3A_11, %mul3A_68 : i32
        %add3A_70 = arith.constant 0 : i32
        %add3A_71 = arith.addi %add3A_69, %add3A_70 : i32
        %get3A = arith.index_cast %add3A_71 : i32 to index
        %get3A_72 = tpu.vector_load %arg4[%get3A] {strides = array<i32>} : memref<3136xi32, #tpu.memory_space<vmem>>, vector<16xi32>,
        %add3A_73 = arith.constant 0 : i32
        %add3A_74 = vector.broadcast %add3A_73 : i32 to vector<16xi32>
        %add3A_75 = arith.addi %add3A_74, %iota3A : vector<16xi32>
        %mul3A_76 = arith.constant 128 : i32
        %mul3A_77 = vector.broadcast %mul3A_76 : i32 to vector<16xi32>
        %mul3A_78 = arith.muli %add3A_75, %mul3A_77 : vector<16xi32>
        %add3A_79 = vector.broadcast %mul3A_54 : i32 to vector<16xi32>
        %add3A_80 = arith.addi %add3A_79, %mul3A_78 : vector<16xi32>
        %add3A_81 = arith.addi %add3A_80, %get3A_72 : vector<16xi32>
        tpu.vector_store_idx %arg5[%add3A_81], %broadcast_in_dim3A_15 : memref<8192xi32, #tpu.memory_space<vmem>>[vector<16xi32>], vector<16xi32>,
        %mul3A_82 = arith.constant 32 : i32
        %mul3A_83 = arith.muli %scan3A_38, %mul3A_82 : i32
        %add3A_84 = arith.addi %select_n3A_11, %mul3A_83 : i32
        %add3A_85 = arith.constant 16 : i32
        %add3A_86 = arith.addi %add3A_84, %add3A_85 : i32
        %get3A_87 = arith.index_cast %add3A_86 : i32 to index
        %get3A_88 = tpu.vector_load %arg4[%get3A_87] {strides = array<i32>} : memref<3136xi32, #tpu.memory_space<vmem>>, vector<16xi32>,
        %add3A_89 = arith.constant 16 : i32
        %add3A_90 = vector.broadcast %add3A_89 : i32 to vector<16xi32>
        %add3A_91 = arith.addi %add3A_90, %iota3A : vector<16xi32>
        %mul3A_92 = arith.constant 128 : i32
        %mul3A_93 = vector.broadcast %mul3A_92 : i32 to vector<16xi32>
        %mul3A_94 = arith.muli %add3A_91, %mul3A_93 : vector<16xi32>
        %add3A_95 = vector.broadcast %mul3A_54 : i32 to vector<16xi32>
        %add3A_96 = arith.addi %add3A_95, %mul3A_94 : vector<16xi32>
        %add3A_97 = arith.addi %add3A_96, %get3A_88 : vector<16xi32>
        tpu.vector_store_idx %arg5[%add3A_97], %broadcast_in_dim3A_15 : memref<8192xi32, #tpu.memory_space<vmem>>[vector<16xi32>], vector<16xi32>,
        %jit3A_98 = arith.constant 2 : i32
        %eq3A_99 = arith.constant 0 : i32
        %eq3A_100 = arith.cmpi eq, %jit3A_98, %eq3A_99 : i32
        %jit3A_101 = arith.constant 1 : i32
        %select_n3A_102 = arith.select %eq3A_100, %jit3A_101, %jit3A_98 : i32
        %rem3A_103 = arith.remsi %scan3A_38, %select_n3A_102 : i32
        %ne3A_104 = arith.constant 0 : i32
        %ne3A_105 = arith.cmpi ne, %rem3A_103, %ne3A_104 : i32
        %lt3A_106 = arith.constant 0 : i32
        %lt3A_107 = arith.cmpi slt, %rem3A_103, %lt3A_106 : i32
        %lt3A_108 = arith.constant 0 : i32
        %lt3A_109 = arith.cmpi slt, %select_n3A_102, %lt3A_108 : i32
        %ne3A_110 = arith.xori %lt3A_107, %lt3A_109 : i1
        %and3A_111 = arith.andi %ne3A_110, %ne3A_105 : i1
        %add3A_112 = arith.addi %rem3A_103, %select_n3A_102 : i32
        %select_n3A_113 = arith.select %and3A_111, %add3A_112, %rem3A_103 : i32
        %eq3A_114 = arith.constant 0 : i32
        %eq3A_115 = arith.cmpi eq, %select_n3A_113, %eq3A_114 : i32
        %convert_element_type3A_116 = arith.extui %eq3A_115 : i1 to i32
        %cond3A_117 = arith.constant 0 : i32
        %cond3A_118 = arith.cmpi ne, %convert_element_type3A_116, %cond3A_117 : i32
        scf.if %cond3A_118 {
          %dma_start3A_140 = tpu.memref_slice %arg5[%mul3A_54] : memref<8192xi32, #tpu.memory_space<vmem>> -> memref<4096xi32, #tpu.memory_space<vmem>>
          %dma_start3A_141 = tpu.memref_slice %arg3[%mul3A_57] : memref<12800000xi32, #tpu.memory_space<hbm>> -> memref<4096xi32, #tpu.memory_space<hbm>>
          %dma_start3A_142 = tpu.memref_slice %arg3[%mul3A_57] : memref<12800000xi32, #tpu.memory_space<hbm>> -> memref<4096xi32, #tpu.memory_space<hbm>>
          %dma_start3A_143 = tpu.memref_slice %arg5[%mul3A_54] : memref<8192xi32, #tpu.memory_space<vmem>> -> memref<4096xi32, #tpu.memory_space<vmem>>
          tpu.enqueue_dma source(%dma_start3A_143 : memref<4096xi32, #tpu.memory_space<vmem>>) target(%dma_start3A_142 : memref<4096xi32, #tpu.memory_space<hbm>>) target_semaphore(%arg6 : memref<!tpu.dma_semaphore, #tpu.memory_space<semaphore_mem>>)
        } else {
        }
        %jit3A_119 = arith.constant 2 : i32
        %eq3A_120 = arith.constant 0 : i32
        %eq3A_121 = arith.cmpi eq, %jit3A_119, %eq3A_120 : i32
        %jit3A_122 = arith.constant 1 : i32
        %select_n3A_123 = arith.select %eq3A_121, %jit3A_122, %jit3A_119 : i32
        %rem3A_124 = arith.remsi %scan3A_38, %select_n3A_123 : i32
        %ne3A_125 = arith.constant 0 : i32
        %ne3A_126 = arith.cmpi ne, %rem3A_124, %ne3A_125 : i32
        %lt3A_127 = arith.constant 0 : i32
        %lt3A_128 = arith.cmpi slt, %rem3A_124, %lt3A_127 : i32
        %lt3A_129 = arith.constant 0 : i32
        %lt3A_130 = arith.cmpi slt, %select_n3A_123, %lt3A_129 : i32
        %ne3A_131 = arith.xori %lt3A_128, %lt3A_130 : i1
        %and3A_132 = arith.andi %ne3A_131, %ne3A_126 : i1
        %add3A_133 = arith.addi %rem3A_124, %select_n3A_123 : i32
        %select_n3A_134 = arith.select %and3A_132, %add3A_133, %rem3A_124 : i32
        %eq3A_135 = arith.constant 1 : i32
        %eq3A_136 = arith.cmpi eq, %select_n3A_134, %eq3A_135 : i32
        %convert_element_type3A_137 = arith.extui %eq3A_136 : i1 to i32
        %cond3A_138 = arith.constant 0 : i32
        %cond3A_139 = arith.cmpi ne, %convert_element_type3A_137, %cond3A_138 : i32
        scf.if %cond3A_139 {
          %dma_start3A_140 = tpu.memref_slice %arg5[%mul3A_54] : memref<8192xi32, #tpu.memory_space<vmem>> -> memref<4096xi32, #tpu.memory_space<vmem>>
          %dma_start3A_141 = tpu.memref_slice %arg3[%mul3A_57] : memref<12800000xi32, #tpu.memory_space<hbm>> -> memref<4096xi32, #tpu.memory_space<hbm>>
          %dma_start3A_142 = tpu.memref_slice %arg3[%mul3A_57] : memref<12800000xi32, #tpu.memory_space<hbm>> -> memref<4096xi32, #tpu.memory_space<hbm>>
          %dma_start3A_143 = tpu.memref_slice %arg5[%mul3A_54] : memref<8192xi32, #tpu.memory_space<vmem>> -> memref<4096xi32, #tpu.memory_space<vmem>>
          tpu.enqueue_dma source(%dma_start3A_143 : memref<4096xi32, #tpu.memory_space<vmem>>) target(%dma_start3A_142 : memref<4096xi32, #tpu.memory_space<hbm>>) target_semaphore(%arg7 : memref<!tpu.dma_semaphore, #tpu.memory_space<semaphore_mem>>)
        } else {
        }
      } else {
      }
    }
    %scan3A_22 = arith.constant 98 : i32
    %dma_wait3A = arith.constant 0 : i32
    %dma_wait3A_23 = tpu.memref_slice %arg5[%dma_wait3A] : memref<8192xi32, #tpu.memory_space<vmem>> -> memref<4096xi32, #tpu.memory_space<vmem>>
    %dma_wait3A_24 = arith.constant 0 : i32
    %dma_wait3A_25 = tpu.memref_slice %arg3[%dma_wait3A_24] : memref<12800000xi32, #tpu.memory_space<hbm>> -> memref<4096xi32, #tpu.memory_space<hbm>>
    %dma_wait3A_26 = arith.constant 0 : i32
    %dma_wait3A_27 = tpu.memref_slice %arg3[%dma_wait3A_26] : memref<12800000xi32, #tpu.memory_space<hbm>> -> memref<4096xi32, #tpu.memory_space<hbm>>
    %dma_wait3A_28 = arith.constant 0 : i32
    %dma_wait3A_29 = tpu.memref_slice %arg5[%dma_wait3A_28] : memref<8192xi32, #tpu.memory_space<vmem>> -> memref<4096xi32, #tpu.memory_space<vmem>>
    tpu.wait_dma2 semaphore(%arg6 : memref<!tpu.dma_semaphore, #tpu.memory_space<semaphore_mem>>) src(%dma_wait3A_29 : memref<4096xi32, #tpu.memory_space<vmem>>) dst(%dma_wait3A_27 : memref<4096xi32, #tpu.memory_space<hbm>>)
    %dma_wait3A_30 = arith.constant 0 : i32
    %dma_wait3A_31 = tpu.memref_slice %arg5[%dma_wait3A_30] : memref<8192xi32, #tpu.memory_space<vmem>> -> memref<4096xi32, #tpu.memory_space<vmem>>
    %dma_wait3A_32 = arith.constant 0 : i32
    %dma_wait3A_33 = tpu.memref_slice %arg3[%dma_wait3A_32] : memref<12800000xi32, #tpu.memory_space<hbm>> -> memref<4096xi32, #tpu.memory_space<hbm>>
    %dma_wait3A_34 = arith.constant 0 : i32
    %dma_wait3A_35 = tpu.memref_slice %arg3[%dma_wait3A_34] : memref<12800000xi32, #tpu.memory_space<hbm>> -> memref<4096xi32, #tpu.memory_space<hbm>>
    %dma_wait3A_36 = arith.constant 0 : i32
    %dma_wait3A_37 = tpu.memref_slice %arg5[%dma_wait3A_36] : memref<8192xi32, #tpu.memory_space<vmem>> -> memref<4096xi32, #tpu.memory_space<vmem>>
    tpu.wait_dma2 semaphore(%arg7 : memref<!tpu.dma_semaphore, #tpu.memory_space<semaphore_mem>>) src(%dma_wait3A_37 : memref<4096xi32, #tpu.memory_space<vmem>>) dst(%dma_wait3A_35 : memref<4096xi32, #tpu.memory_space<hbm>>)
    return
  }
}

</mosaic_0001>

<sc_bundles>
// kernel: kernel.3.cloned.1.call-start
scs
__scs_entry_jumppad:
0x0: {  	(pc) =	sbr.rel $0x88, $3  }
0x1: {  	(tag) =	ssettag $0x0;
	lr =	simm.s32 $0x1  }
0x2: {  	[smem:$0x3FA0] =	sst lr;
	_ =	strace $0xD0000000  }
0x3: {  	_ = 	snop  }
0x4: {  	_ = 	snop  }
0x5: {  	_ = 	snop  }
0x6: {  	_ = 	snop  }
0x7: {  	_ = 	snop  }
__scs_overlays_trampoline_lowered:
0x8: {  	[smem:$0x3FAF] =	sst s0  }
0x9: {  	[smem:$0x3FB0] =	sst s1  }
0xa: {  	[smem:$0x3FB1] =	sst s2  }
0xb: {  	[smem:$0x3FB2] =	sst s3  }
0xc: {  	[smem:$0x3FB3] =	sst s4  }
0xd: {  	[smem:$0x3FB4] =	sst s5  }
0xe: {  	[smem:$0x3FB5] =	sst s6  }
0xf: {  	[smem:$0x3FB6] =	sst s7  }
0x10: {  	[smem:$0x3FB7] =	sst s8  }
0x11: {  	[smem:$0x3FB8] =	sst s9;
	s0 =	simm.s32 @!p0 $0x0  }
0x12: {  	s1 =	sld [smem:$0x3F9E];
	s0 =	simm.s32 @p0 $0x1  }
0x13: {  	[smem:$0x3FB9] =	sst s0;
	s0 =	simm.s32 @!p1 $0x0  }
0x14: {  	s2 =	sld [smem:$0x3F9D];
	s0 =	simm.s32 @p1 $0x1  }
0x15: {  	[smem:$0x3FBA] =	sst s0;
	s0 =	simm.s32 @!p2 $0x0  }
0x16: {  	s3 =	sld [smem:$0x3FDB];
	s0 =	simm.s32 @p2 $0x1  }
0x17: {  	s4 =	simm.s32 $0x1BF5;
	[smem:$0x3FBC] =	sst s0  }
0x18: {  	s0 =	sld [smem:$0x3F9F];
	_ =	swait.ge [sflag:s4], $0x0  }
0x19: {  	s7 =	sld [smem:$0x3FA0]  }
0x1a: {  	s8 =	sadd.s32 $0xFFFFE003, lr  }
0x1b: {  	s9 =	sadd.s32 $0xFFFFFEF7, lr;
	s5 =	simm.s32 $0xFFFFFFFF;
	p2 =	slt.u32 s8, $0xFFFFF086  }
0x1c: {  	p1 =	slt.u32 s9, $0xF7A;
	s5 =	simm.s32 @!p2 $0x0  }
0x1d: {  	s5 =	simm.s32 @p1 $0x1;
	p0 =	seq.s32 s7, s2  }
0x1e: {  	s7 =	smul.u32 @!p0 $0xF7A, s2;
	p2 =	seq.s32 @!p0 s5, $0x0  }
0x1f: {  	s9 =	smul.u32 $0xF7A, s1;
	s8 =	simm.s32 @!p0 $0x1BF5;
	p2 =	por !p2, p0  }
0x20: {  	[sflag:s8] =	ssyncset.s32 @!p0 $0xFFFFF086;
	s6 =	sadd.s32 @!p0 s3, s7;
	s7 =	simm.s32 @!p0 $0x108  }
0x21: {  	s3 =	sadd.s32 s3, s9;
	s6 =	sadd.s32 @!p0 $0x88, s6;
	s7 =	simm.s32 @p2 $0x1082  }
0x22: {  	[simem:s7], [sflag:s8] =	dma.local @!p0 [hbm:s6], $0xF7A  }
0x23: {  	s9 =	sor.u32 $0xD0000000, s2;
	s6 =	simm.s32 $0x108;
	_ =	swait.ge @!p0 [sflag:s8], $0x0  }
0x24: {  	s3 =	sadd.s32 $0x88, s3;
	s6 =	simm.s32 @!p1 $0x1082;
	[sflag:s4] =	ssyncset.s32 $0xFFFFF086  }
0x25: {  	[simem:s6], [sflag:s4] =	dma.local [hbm:s3], $0xF7A  }
0x26: {  	[smem:$0x3FA0] =	sst s1;
	(tag) =	ssettag s2;
	_ =	strace s9  }
0x27: {  	s1 =	sld [smem:$0x3FB0]  }
0x28: {  	s2 =	sld [smem:$0x3FB1]  }
0x29: {  	s4 =	sld [smem:$0x3FB3]  }
0x2a: {  	p0 =	seq.s32 s5, $0x0;
	s5 =	sld [smem:$0x3FB4]  }
0x2b: {  	s6 =	sld [smem:$0x3FB5]  }
0x2c: {  	s7 =	sld [smem:$0x3FB6]  }
0x2d: {  	s3 =	simm.s32 $0x108;
	s8 =	sld [smem:$0x3FB7]  }
0x2e: {  	s3 =	simm.s32 @!p0 $0x1082;
	s9 =	sld [smem:$0x3FB8]  }
0x2f: {  	lr =	sadd.s32 s0, s3;
	s0 =	sld [smem:$0x3FAF]  }
0x30: {  	s3 =	sld [smem:$0x3FB2]  }
0x31: {  	[smem:$0x3FBB] =	sst s10  }
0x32: {  	s10 =	sld [smem:$0x3FB9];
	_ =	sdelay $0x3  }
0x33: {  	p0 =	seq.s32 s10, $0x1;
	s10 =	sld [smem:$0x3FBB];
	_ =	sdelay $0x3  }
0x34: {  	[smem:$0x3FBB] =	sst s10  }
0x35: {  	s10 =	sld [smem:$0x3FBA];
	_ =	sdelay $0x3  }
0x36: {  	p1 =	seq.s32 s10, $0x1;
	s10 =	sld [smem:$0x3FBB];
	_ =	sdelay $0x3  }
0x37: {  	[smem:$0x3FBB] =	sst s10  }
0x38: {  	s10 =	sld [smem:$0x3FBC]  }
0x39: {  	_ = 	snop;
	(pc) =	sbr.ind lr, $3  }
0x3a: {  	_ = 	snop  }
0x3b: {  	_ = 	snop  }
0x3c: {  	p2 =	seq.s32 s10, $0x1;
	s10 =	sld [smem:$0x3FBB]  }
0x3d: {  	_ =	shalt  }
0x3e: {  	_ =	shalt  }
0x3f: {  	_ =	shalt  }
0x40: {  	_ =	shalt  }
0x41: {  	_ =	shalt  }
0x42: {  	_ =	shalt  }
0x43: {  	_ =	shalt  }
0x44: {  	_ =	shalt  }
0x45: {  	_ =	shalt  }
0x46: {  	_ =	shalt  }
0x47: {  	_ =	shalt  }
0x48: {  	_ =	shalt  }
0x49: {  	_ =	shalt  }
0x4a: {  	_ =	shalt  }
0x4b: {  	_ =	shalt  }
0x4c: {  	_ =	shalt  }
0x4d: {  	_ =	shalt  }
0x4e: {  	_ =	shalt  }
0x4f: {  	_ =	shalt  }
0x50: {  	_ =	shalt  }
0x51: {  	_ =	shalt  }
0x52: {  	_ =	shalt  }
0x53: {  	_ =	shalt  }
0x54: {  	_ =	shalt  }
0x55: {  	_ =	shalt  }
0x56: {  	_ =	shalt  }
0x57: {  	_ =	shalt  }
0x58: {  	_ =	shalt  }
0x59: {  	_ =	shalt  }
0x5a: {  	_ =	shalt  }
0x5b: {  	_ =	shalt  }
0x5c: {  	_ =	shalt  }
0x5d: {  	_ =	shalt  }
0x5e: {  	_ =	shalt  }
0x5f: {  	_ =	shalt  }
0x60: {  	_ =	shalt  }
0x61: {  	_ =	shalt  }
0x62: {  	_ =	shalt  }
0x63: {  	_ =	shalt  }
0x64: {  	_ =	shalt  }
0x65: {  	_ =	shalt  }
0x66: {  	_ =	shalt  }
0x67: {  	_ =	shalt  }
0x68: {  	_ =	shalt  }
0x69: {  	_ =	shalt  }
0x6a: {  	_ =	shalt  }
0x6b: {  	_ =	shalt  }
0x6c: {  	_ =	shalt  }
0x6d: {  	_ =	shalt  }
0x6e: {  	_ =	shalt  }
0x6f: {  	_ =	shalt  }
0x70: {  	_ =	shalt  }
0x71: {  	_ =	shalt  }
0x72: {  	_ =	shalt  }
0x73: {  	_ =	shalt  }
0x74: {  	_ =	shalt  }
0x75: {  	_ =	shalt  }
0x76: {  	_ =	shalt  }
0x77: {  	_ =	shalt  }
0x78: {  	_ =	shalt  }
0x79: {  	_ =	shalt  }
0x7a: {  	_ =	shalt  }
0x7b: {  	_ =	shalt  }
0x7c: {  	_ =	shalt  }
0x7d: {  	_ =	shalt  }
0x7e: {  	_ =	shalt  }
0x7f: {  	_ =	shalt  }
0x80: {  	_ =	shalt  }
0x81: {  	_ =	shalt  }
0x82: {  	_ =	shalt  }
0x83: {  	_ =	shalt  }
0x84: {  	_ =	shalt  }
0x85: {  	_ =	shalt  }
0x86: {  	_ =	shalt  }
0x87: {  	_ =	shalt  }
.Lfunc_end0:
.L_simem_size_0:
called_computation_lowered:
.L_overlay_start_0:
0x88: {  	s2 =	sld [smem:$0x3FD9]  }
0x89: {  	s3 =	sld [smem:$0x3FFE];
	_ =	sdelay $0x1  }
0x8a: {  	s1 =	srdreg.scid  }
0x8b: {  	s0 =	sand.u32 $0x1, s1  }
0x8c: {  	s18 =	sshll.u32 s0, $0xA;
	s2 =	sadd.s32 s3, s2  }
0x8d: {  	s2 =	sadd.s32 s2, s18  }
0x8e: {  	[smem:$0x3FC7] =	sst s2  }
0x8f: {  	_ = 	snop  }
0x90: {  	s2 =	sld [smem:$0x3FC9]  }
0x91: {  	s19 =	sld [smem:$0x3FD0];
	(tm) =	ssettm $0x1  }
0x92: {  	s4 =	sld [smem:$0x3FFB];
	_ =	sdelay $0x3  }
0x93: {  	_ =	strace s4  }
0x94: {  	s4 =	sld [smem:$0x3FFC];
	_ =	sdelay $0x3  }
0x95: {  	_ =	strace s4  }
0x96: {  	s4 =	sld [smem:$0x3FFD];
	_ =	sdelay $0x3  }
0x97: {  	_ =	strace s4  }
0x98: {  	_ =	strace $0x8FFFFFFF  }
0x99: {  	s20 =	sld [smem:$0x3FDB];
	_ =	sdelay $0x1  }
0x9a: {  	s5 =	simm.s32 $_scs_section_size  }
0x9b: {  	s6 =	simm.s32 $_size__tile_overlayer_lowered;
	s7 =	simm.s32 $_tile_overlayer_lowered  }
0x9c: {  	s23 =	simm.s32 $0x1BFF;
	s22 =	sshll.u32 s7, $0x1;
	s4 =	sadd.s32 s5, s20  }
0x9d: {  	s8 =	simm.s32 $0x0;
	s21 =	sshll.u32 s6, $0x1;
	s6 =	sadd.s32 s22, s4  }
0x9e: {  	[timem:s8], [sflag:s23] =	dma.local [hbm:s6], s21  }
0x9f: {  	_ =	swait.ge [sflag:s23], s21  }
0xa0: {  	s5 =	ssub.s32 $0x0, s21;
	[sflag:s23] =	ssyncset.done $0x0  }
0xa1: {  	[sflag:s23] =	ssyncadd.s32 s5;
	_ =	sdelay $0x1  }
0xa2: {  	s24 =	simm.s32 $0x1B8B  }
0xa3: {  	_ =	swait.ge [sflag:s24], $0x1  }
0xa4: {  	[sflag:s24] =	ssyncset.done $0x0  }
0xa5: {  	s25 =	simm.s32 $0x1B8E;
	[sflag:s24] =	ssyncadd.s32 $0xFFFFFFFF  }
0xa6: {  	s26 =	simm.s32 $execute0_lowered;
	[smem:$0x3FD2] =	sst s25  }
0xa7: {  	s5 =	sshll.u32 s26, $0x1;
	_ =	strace $0x80000046;
	[dreg:$0x1] =	wrdreg $0xFFFFFFFF  }
0xa8: {  	s28 =	simm.s32 $_size_execute0_lowered;
	s4 =	sadd.s32 s4, s5;
	[dreg:$0x0] =	wrdreg $0x0  }
0xa9: {  	s5 =	sshll.u32 s28, $0x1;
	[dreg:$0x2] =	wrdreg s4  }
0xaa: {  	[dreg:$0x3] =	wrdreg s5  }
0xab: {  	[dreg:$0x4] =	wrdreg $0xC0  }
0xac: {  	_ =	task [dreg:s8], $0x5FFFF  }
0xad: {  	[dreg:$0x1] =	wrdreg $0xFFFFFFFF  }
0xae: {  	[dreg:$0x0] =	wrdreg $0x60  }
0xaf: {  	[dreg:$0x2] =	wrdreg s2  }
0xb0: {  	[dreg:$0x3] =	wrdreg s19  }
0xb1: {  	[dreg:$0x4] =	wrdreg $0x9  }
0xb2: {  	_ =	task.clear_ibuf [dreg:s8], $0x5FFFF;
	_ =	strace $0x90000046  }
0xb3: {  	s29 =	simm.s32 $0x9;
	_ =	strace $0x80000048  }
0xb4: {  	_ =	swait.ge [sflag:s29], $0x1  }
0xb5: {  	[sflag:s29] =	ssyncadd.s32 $0xFFFFFFFF  }
0xb6: {  	_ =	strace $0x90000048  }
0xb7: {  	_ =	sfence  }
0xb8: {  	s30 =	sld [smem:$0x0];
	_ =	sdelay $0x2  }
0xb9: {  	s31 =	sshll.u32 s1, $0xD;
	s1 =	sshrl.u32 s1, $0x2  }
0xba: {  	s3 =	sand.u32 $0x4000, s31;
	s1 =	sadd.s32 s1, s30  }
0xbb: {  	s0 =	sor.u32 s3, s0;
	s1 =	sshll.u32 s1, $0x11  }
0xbc: {  	s0 =	sor.u32 s1, s0  }
0xbd: {  	s0 =	sadd.s32 $0x8F2B, s0  }
0xbe: {  	[sflag:s0] =	ssyncadd.remote.s32 $0x1  }
0xbf: {  	_ =	sfence.sel $0xFFFF  }
0xc0: {  	[dreg:$0x0] =	wrdreg $0xFFFFFFFF;
	(pc) =	sbr.abs _section_cstart, $3  }
0xc1: {  	[dreg:$0x1] =	wrdreg $0xFFFFFFFF  }
0xc2: {  	_ =	task.clear_ibuf [dreg:s8], $0x2FFFF;
	_ =	strace $0x9FFFFFFF  }
0xc3: {  	(tm) =	ssettm $0x7FFFFFFF  }
tec
execute0_lowered:
.L_overlay_start_1:
0x0: {  	(tag) =	ssettag $0x1  }
0x1: {  	s1 =	srdreg.scid  }
0x2: {  	s0 =	stileid.u32;
	s6 =	rddreg [dreg:$0x0]  }
0x3: {  	s2 =	rddreg [dreg:$0x1];
	s3 =	simm.s32 $0x0;
	s12 =	simm.s32 $0x0  }
0x4: {  	s10 =	simm.s32 $0x2;
	s5 =	sand.u32 $0x1, s1;
	s30 =	sshll.u32 s0, $0x1  }
0x5: {  	s11 =	simm.s32 $0x1;
	[smem:$0x7FF] =	sst s3;
	s4 =	sor.u32 s5, s30  }
0x6: {  	s1 =	rddreg [dreg:$0x2];
	_ =	strace $0x80000047;
	s7 =	smul.u32 $0x61, s4  }
0x7: {  	s31 =	ssub.s32 $0x2, s5;
	s5 =	simm.s32 $0x62;
	s8 =	smin.u32 s4, $0x15  }
.Ltmp0:
0x8: {  	p0 =	slt.u32 s4, $0x15;
	s4 =	sadd.s32 s8, s7;
	(pc) =	sbr.rel .LBB2_1-.Ltmp0, $4  }
0x9: {  	v0 =	vlaneseq.u32;
	s9 =	sshrl.u32 s31, $0x1;
	s12 =	simm.s32 @!p0 $0x20;
	s7 =	sshll.u32 s4, $0x5  }
0xa: {  	v0 =	vmul.u32 $0x80, v0;
	s5 =	simm.s32 @!p0 $0x61;
	s8 =	ssub.s32 s31, s9;
	s7 =	ssub.s32 s7, s12  }
0xb: {  	s9 =	simm.s32 $0x3;
	v4 =	vmov s12;
	s12 =	simm.s32 $0x0;
	s7 =	sshrl.u32 s7, $0x3  }
0xc: {  	v2 =	vimm.s32 $0x1;
	v3 =	vimm.s32 $0x0;
	v1 =	vor.u32 $0x800, v0;
	s6 =	sadd.s32 s6, s7;
	s7 =	smax.u32 s8, $0x1;
	s8 =	simm.s32 $0xC80  }
.LBB2_12:
0xd: {  	s12 =	sadd.s32 $0x1, s12  }
0xe: {  	_ =	swait.ge [sflag:s11], $0x1000;
	p0 =	sne.s32 s12, s7  }
.Ltmp1:
0xf: {  	[sflag:s11] =	ssyncset.done $0x0;
	(pc) =	sbr.rel @!p0 .LBB2_13-.Ltmp1, $4  }
0x10: {  	[sflag:s11] =	ssyncadd.s32 $0xFFFFF000  }
0x11: {  	_ =	swait.ge [sflag:s10], $0x1000  }
0x12: {  	[sflag:s10] =	ssyncset.done $0x0  }
0x13: {  	[sflag:s10] =	ssyncadd.s32 $0xFFFFF000  }
.LBB2_1:
.Ltmp2:
0x14: {  	(pc) =	sbr.rel .LBB2_2-.Ltmp2, $3  }
0x15: {  	_ =	sdelay $0x1  }
0x16: {  	[tilespmem:s3], [sflag:$0x3] =	stream.linear.gather [hbm4b:s6+s3], $0xC40, $0x38;
	[tilespmem:$0x2C80] =	vst v63  }
0x17: {  	s13 =	simm.s32 $0x0;
	s14 =	simm.s32 $0x0  }
.LBB2_7:
0x18: {  	[tilespmem:s17+$0xCF0] =	vst v3  }
0x19: {  	[tilespmem:s17+$0xC80] =	vst v3  }
0x1a: {  	[tilespmem:s17+$0xC90] =	vst v3  }
0x1b: {  	[tilespmem:s17+$0xCA0] =	vst v3  }
0x1c: {  	[tilespmem:s17+$0xCB0] =	vst v3  }
0x1d: {  	[tilespmem:s17+$0xCC0] =	vst v3  }
0x1e: {  	[tilespmem:s17+$0xCD0] =	vst v3  }
0x1f: {  	[tilespmem:s17+$0xCE0] =	vst v3  }
0x20: {  	_ =	swait.ge [sflag:s9], $0xC40  }
0x21: {  	[sflag:s9] =	ssyncset.done $0x0  }
0x22: {  	[sflag:s9] =	ssyncadd.s32 $0xFFFFF3C0  }
.LBB2_8:
0x23: {  	s17 =	sshll.u32 s14, $0x7;
	v5 =	vor.u32 s15, v0;
	v6 =	vor.u32 s15, v1;
	p0 =	seq.s32 s16, $0x1  }
.LBB2_10:
0x24: {  	_ =	sdelay $0x2  }
0x25: {  	s17 =	sshrl.u32 s17, $0x2  }
0x26: {  	v7 =	vld.idx.msk [tilespmem:v4+s17+$0x0 ss:$0x1], $0xffff;
	_ =	sdelay $0x4  }
0x27: {  	v5 =	vadd.s32 v7, v5;
	_ =	sdelay $0x4  }
0x28: {  	[tilespmem:v5+s8+$0x0] =	vst.idx.msk $0xffff, v2  }
0x29: {  	v5 =	vld.idx.msk [tilespmem:v4+s17+$0x10 ss:$0x1], $0xffff;
	_ =	sdelay $0x4  }
0x2a: {  	v5 =	vadd.s32 v5, v6;
	_ =	sdelay $0x2  }
0x2b: {  	s31 =	sadd.s32 s4, s14  }
0x2c: {  	s18 =	simm.s32 @!p0 $0x0;
	s17 =	sshll.u32 s31, $0x9  }
0x2d: {  	s19 =	simm.s32 @!p0 $0xC80;
	p1 =	seq.s32 @!p0 s16, $0x0;
	s17 =	sadd.s32 s2, s17;
	[tilespmem:v5+s8+$0x0] =	vst.idx.msk $0xffff, v2  }
0x2e: {  	[hbm4b:s17+s18] =	stream.linear.scatter @!p0 [tilespmem:s19], [sflag:$0x1], $0x1000, $0x38;
	[tilespmem:$0x2C80] =	vst v63  }
0x2f: {  	p0 =	por p0, !p1  }
0x30: {  	s15 =	sor.u32 @p0 $0xC80, s15  }
0x31: {  	[hbm4b:s17+s3] =	stream.linear.scatter @p0 [tilespmem:s15], [sflag:$0x2], $0x1000, $0x38;
	[tilespmem:$0x2C80] =	vst v63  }
.LBB2_11:
0x32: {  	s14 =	sadd.s32 $0x1, s14  }
0x33: {  	p0 =	sne.s32 s14, $0x62  }
.Ltmp3:
0x34: {  	_ = 	snop;
	(pc) =	sbr.rel @!p0 .LBB2_12-.Ltmp3, $2  }
0x35: {  	_ =	sdelay $0x2  }
0x36: {  	s13 =	sadd.s32 $0x200, s13  }
.LBB2_2:
0x37: {  	p0 =	sge.u32 s14, s5  }
.Ltmp4:
0x38: {  	_ = 	snop;
	(pc) =	sbr.rel @p0 .LBB2_11-.Ltmp4, $1  }
0x39: {  	_ =	sdelay $0x3  }
0x3a: {  	p0 =	seq.s32 s14, $0x1  }
.Ltmp5:
0x3b: {  	_ = 	snop;
	(pc) =	sbr.rel @p0 .LBB2_8-.Ltmp5, $3  }
0x3c: {  	_ =	sdelay $0x1  }
0x3d: {  	s16 =	sand.u32 $0x1, s14  }
0x3e: {  	s15 =	sshll.u32 s16, $0xC  }
0x3f: {  	p0 =	sne.s32 s14, $0x0  }
.Ltmp6:
0x40: {  	_ = 	snop;
	(pc) =	sbr.rel @p0 .LBB2_9-.Ltmp6, $1  }
0x41: {  	_ =	sdelay $0x3  }
0x42: {  	p0 =	sne.s32 s13, $0x7E00  }
.Ltmp7:
0x43: {  	_ = 	snop;
	(pc) =	sbr.rel @!p0 .LBB2_7-.Ltmp7, $2  }
0x44: {  	_ =	sdelay $0x2  }
0x45: {  	s17 =	sshra.s32 s13, $0x2;
	s18 =	sadd.s32 $0x200, s13  }
.LBB2_6:
0x46: {  	p0 =	sne.s32 s18, $0x7E00;
	[tilespmem:s17+$0xCF0] =	vst v3  }
0x47: {  	[tilespmem:s17+$0xC80] =	vst v3  }
0x48: {  	[tilespmem:s17+$0xC90] =	vst v3  }
.Ltmp8:
0x49: {  	[tilespmem:s17+$0xCA0] =	vst v3;
	(pc) =	sbr.rel @p0 .LBB2_6-.Ltmp8, $4  }
0x4a: {  	[tilespmem:s17+$0xCB0] =	vst v3  }
0x4b: {  	[tilespmem:s17+$0xCC0] =	vst v3  }
0x4c: {  	[tilespmem:s17+$0xCD0] =	vst v3  }
0x4d: {  	[tilespmem:s17+$0xCE0] =	vst v3;
	s17 =	sshra.s32 s18, $0x2;
	s18 =	sadd.s32 $0x200, s18  }
.Ltmp9:
0x4e: {  	_ = 	snop;
	(pc) =	sbr.rel .LBB2_7-.Ltmp9, $1  }
0x4f: {  	_ =	sdelay $0x3  }
.LBB2_9:
0x50: {  	p0 =	seq.s32 s16, $0x1;
	s18 =	simm.s32 $0x2  }
0x51: {  	s18 =	simm.s32 @!p0 $0x1  }
0x52: {  	_ =	swait.ge [sflag:s18], $0x1000  }
0x53: {  	s17 =	sshll.u32 s14, $0x7;
	[sflag:s18] =	ssyncset.done $0x0  }
0x54: {  	s31 =	sshrl.u32 s17, $0x2;
	[sflag:s18] =	ssyncadd.s32 $0xFFFFF000  }
0x55: {  	v6 =	vld.idx.msk [tilespmem:v4+s31+$0xFFFFFFC0 ss:$0x1], $0xffff;
	_ =	sdelay $0x3  }
0x56: {  	v5 =	vor.u32 s15, v0  }
0x57: {  	v6 =	vadd.s32 v6, v5;
	_ =	sdelay $0x4  }
0x58: {  	[tilespmem:v6+s8+$0x0] =	vst.idx.msk $0xffff, v3  }
0x59: {  	v7 =	vld.idx.msk [tilespmem:v4+s31+$0xFFFFFFD0 ss:$0x1], $0xffff;
	_ =	sdelay $0x3  }
0x5a: {  	v6 =	vor.u32 s15, v1  }
0x5b: {  	v7 =	vadd.s32 v7, v6  }
.Ltmp10:
0x5c: {  	_ = 	snop;
	(pc) =	sbr.rel .LBB2_10-.Ltmp10, $2  }
0x5d: {  	_ =	sdelay $0x2  }
0x5e: {  	[tilespmem:v7+s8+$0x0] =	vst.idx.msk $0xffff, v3  }
.LBB2_13:
0x5f: {  	_ =	sfence.sel $0x180000  }
0x60: {  	[bflag:$0x0] =	sbarrier.arrive $0xFFFF  }
0x61: {  	p0 =	sne.s32 s0, $0x0;
	_ =	strace $0x90000047  }
0x62: {  	s0 =	sadd.s32 @!p0 $0x100000, s1;
	[bflag:$0x2] =	sbarrier.arrive $0xFFFF  }
0x63: {  	[sflag:s0] =	ssyncadd.tile.s32 @!p0 $0x1;
	_ =	shalt  }
.Lfunc_end2:
_tile_overlayer_lowered:
.L_overlay_start_2:
0x64: {  	(tag) =	ssettag $0x2  }
0x65: {  	s0 =	rddreg [dreg:$0x0];
	s2 =	stileid.u32  }
0x66: {  	s1 =	rddreg [dreg:$0x1];
	p0 =	sne.s32 s2, $0x0  }
0x67: {  	s3 =	rddreg [dreg:$0x2];
	[bflag:$0x3] =	sbarrier.arrive $0xFFFF;
	s2 =	simm.s32 @!p0 $0x1C04  }
0x68: {  	[timem:s3], [sflag:s2] =	dma.local @!p0 [hbm:s0], s1  }
0x69: {  	s0 =	simm.s32 @!p0 $0x4  }
0x6a: {  	_ =	swait.ge @!p0 [sflag:s0], s1  }
0x6b: {  	s1 =	ssub.s32 @!p0 $0x0, s1;
	[sflag:s0] =	ssyncset.done @!p0 $0x0  }
0x6c: {  	[sflag:s0] =	ssyncadd.s32 @!p0 s1  }
0x6d: {  	[bflag:$0x3] =	sbarrier.arrive $0xFFFF  }
0x6e: {  	_ =	shalt  }

</sc_bundles>
